<compile_context>
chip_gen: v7x
topology: tpu7x:2x2x1
jax: 0.10.2.dev20260603
libtpu: 0.0.44.dev20260713+nightly
codegen_flags: <defaults>
</compile_context>

<pallas_src>
import dataclasses
import functools

import jax
import jax.numpy as jnp
from jax import lax
from jax.experimental import pallas as pl
from jax.experimental.pallas import tpu as pltpu
from jax.experimental.pallas import tpu_sc as plsc

DIM = 768
H = 64
DK = 12
DV = 12
DVP = 16
K = 1024
N = 2048

_NC = 2
_NS = 16
_NW = _NC * _NS
_B = N * H
_BPW = _B // _NW


def _keys_kernel(x_ref, kp_ref, out_ref):
    out_ref[...] = jnp.dot(
        x_ref[...], kp_ref[...], preferred_element_type=jnp.float32
    )


def _argmin_kernel(keys_ref, cb_ref, out_ref):
    keys = keys_ref[0]
    cb = cb_ref[0]
    cbn = cb * (-2.0)
    kc = lax.dot_general(
        keys, cbn, (((1,), (1,)), ((), ())), preferred_element_type=jnp.float32
    )
    c_sq = jnp.sum(cb * cb, axis=1)
    k_sq = jnp.sum(keys * keys, axis=1, keepdims=True)
    dist = (k_sq + kc) + c_sq[None, :]
    dmin = jnp.min(dist, axis=1, keepdims=True)
    iota = lax.broadcasted_iota(jnp.int32, (N, K), 1)
    idx = jnp.min(jnp.where(dist <= dmin, iota, K), axis=1)
    out_ref[0, 0] = idx


_HPW = H // _NW


def _gather_body(values_hbm, idx_hbm, out_hbm, tbl_v, idx_v, rows_v):
    wid = lax.axis_index("s") * _NC + lax.axis_index("c")
    for hh in range(_HPW):
        h = wid * _HPW + hh
        pltpu.sync_copy(values_hbm.at[pl.ds(h * K * DV, K * DV)], tbl_v)
        pltpu.sync_copy(idx_hbm.at[pl.ds(h * N, N)], idx_v)

        @pl.loop(0, N, step=16)
        def _(i):
            vidx = idx_v[pl.ds(i, 16)] * DV
            for j in range(DV):
                g = plsc.load_gather(tbl_v, [vidx + j])
                rows_v[pl.ds(j * N + i, 16)] = g

        pltpu.sync_copy(rows_v, out_hbm.at[pl.ds(h * DV * N, DV * N)])


def _gather_kernel(values, idx):
    cp = pltpu.CompilerParams()
    if "needs_layout_passes" in pltpu.CompilerParams.__dataclass_fields__:
        cp = dataclasses.replace(cp, needs_layout_passes=False)
    gk = pl.kernel(
        _gather_body,
        compiler_params=cp,
        out_type=jax.ShapeDtypeStruct((H * DV * N,), jnp.float32),
        mesh=plsc.VectorSubcoreMesh(core_axis_name="c", subcore_axis_name="s"),
        scratch_types=[
            pltpu.VMEM((K * DV,), jnp.float32),
            pltpu.VMEM((N,), jnp.int32),
            pltpu.VMEM((DV * N,), jnp.float32),
        ],
    )
    return gk(values.reshape(H * K * DV), idx.reshape(H * N))


def kernel(x, mask, token_type_ids, key_optim, values, codebook, key_proj):
    b, n, d = x.shape
    x2 = x.reshape(n, d)

    keys = pl.pallas_call(
        _keys_kernel,
        grid=(8,),
        in_specs=[
            pl.BlockSpec((n // 8, d), lambda i: (i, 0)),
            pl.BlockSpec((d, d), lambda i: (0, 0)),
        ],
        out_specs=pl.BlockSpec((n // 8, d), lambda i: (i, 0)),
        out_shape=jax.ShapeDtypeStruct((n, d), jnp.float32),
    )(x2, key_proj)
    keys_t = keys.reshape(n, H, DK).transpose(1, 0, 2)

    flat_idx = pl.pallas_call(
        _argmin_kernel,
        grid=(H,),
        in_specs=[
            pl.BlockSpec((1, n, DK), lambda h: (h, 0, 0)),
            pl.BlockSpec((1, K, DK), lambda h: (h, 0, 0)),
        ],
        out_specs=pl.BlockSpec((1, 1, n), lambda h: (h, 0, 0)),
        out_shape=jax.ShapeDtypeStruct((H, 1, n), jnp.int32),
    )(keys_t, codebook)

    rows = _gather_kernel(values, flat_idx)
    return rows.reshape(H, DV, n).transpose(2, 0, 1).reshape(1, n, H, DV)

# --- scband reference (transcript-rebuilt; emitter-appended) ---
"""Pipeline reference for scband-discrete-key-value-bottleneck-86663850098809 (READ-ONLY COPY).

The authoritative reference and input builder live on the scoring server;
editing this copy changes nothing except your own understanding.
"""

import jax, jax.numpy as jnp
import numpy as np

DIM = 768
H = 64      # num_key_segments
DK = 12     # dim_key
DV = 12     # dim_value
K = 1024    # codebook_size
B = 1
N = 2048


def setup_inputs(seed: int = 0) -> dict:
    key = jax.random.key(seed)
    k1, k2, k3, k4 = jax.random.split(key, 4)
    x = jax.random.normal(k1, (B, N, DIM), dtype=jnp.float32)
    mask = jnp.ones((B, N), dtype=jnp.int32)
    token_type_ids = jnp.zeros((B, N), dtype=jnp.int32)
    # learned / frozen parameters
    key_proj = jax.random.normal(k2, (DIM, H * DK), dtype=jnp.float32) / jnp.sqrt(DIM)
    codebook = jax.random.normal(k3, (H, K, DK), dtype=jnp.float32)
    values = jax.random.normal(k4, (H, K, DV), dtype=jnp.float32)
    return {
        "x": x,
        "mask": mask,
        "token_type_ids": token_type_ids,
        "key_optim": False,
        "values": values,
        "codebook": codebook,
        "key_proj": key_proj,
    }


def reference(x, mask, token_type_ids, key_optim, values, codebook, key_proj):
    # encoder is None -> x used directly
    b, n, d = x.shape
    # ---- VectorQuantize(input_dim=dim, n_heads=H, heads_dim=DK, codebook_size=K) ----
    keys = jnp.matmul(x, key_proj)               # [b, n, H*DK] random key projection
    keys = keys.reshape(b, n, H, DK)             # [b, n, h, dk]
    k_sq = jnp.sum(keys ** 2, axis=-1, keepdims=True)          # [b, n, h, 1]
    c_sq = jnp.sum(codebook ** 2, axis=-1)                      # [h, K]
    kc = jnp.einsum("bnhd,hkd->bnhk", keys, codebook)          # [b, n, h, K]
    dist = k_sq - 2.0 * kc + c_sq[None, None, :, :]             # squared L2 distance
    memory_indices = jnp.argmin(dist, axis=-1)                  # [b, n, h]
    head_ar = jnp.arange(H)
    quantized = codebook[head_ar[None, None, :], memory_indices]  # [b, n, h, dk]
    # key_optim == False -> (quantized, memory_indices) path
    # ---- value gather ----
    mi = jnp.transpose(memory_indices, (0, 2, 1))               # b h n
    memories = values[head_ar[None, :, None], mi]               # [b, h, n, dv]
    memories = jnp.transpose(memories, (0, 2, 1, 3))            # [b, n, h, dv]
    # decoder is None -> return [b, n, h, dv]
    return memories

if __name__ == "__main__":
    import jax
    _d = setup_inputs()
    print(jax.jit(kernel)(*tuple(_d.values())))

</pallas_src>

<mosaic_0001>
#map = affine_map<(d0, d1) -> (0)>
module attributes {stable_mosaic.version = 14 : i64} {
  func.func @_gather_body(%arg0: i32, %arg1: i32, %arg2: memref<786432xf32, #tpu.memory_space<hbm>>, %arg3: memref<131072xi32, #tpu.memory_space<hbm>>, %arg4: memref<1572864xf32, #tpu.memory_space<hbm>>, %arg5: memref<12288xf32, #tpu.memory_space<vmem>>, %arg6: memref<2048xi32, #tpu.memory_space<vmem>>, %arg7: memref<24576xf32, #tpu.memory_space<vmem>>) attributes {dimension_semantics = [#tpu.dimension_semantics<core_parallel>, #tpu.dimension_semantics<subcore_parallel>], iteration_bounds = array<i64: 2, 16>, scalar_prefetch = 0 : i64, scratch_operands = 3 : i64, tpu.core_type = #tpu.core_type<sc_vector_subcore>, window_params = [{transform_indices = #map}, {transform_indices = #map}, {transform_indices = #map}]} {
    %mul3A = arith.constant 2 : i32
    %mul3A_0 = arith.muli %arg1, %mul3A : i32
    %add3A = arith.addi %mul3A_0, %arg0 : i32
    %mul3A_1 = arith.constant 2 : i32
    %mul3A_2 = arith.muli %add3A, %mul3A_1 : i32
    %add3A_3 = arith.constant 0 : i32
    %add3A_4 = arith.addi %mul3A_2, %add3A_3 : i32
    %mul3A_5 = arith.constant 1024 : i32
    %mul3A_6 = arith.muli %add3A_4, %mul3A_5 : i32
    %mul3A_7 = arith.constant 12 : i32
    %mul3A_8 = arith.muli %mul3A_6, %mul3A_7 : i32
    "tpu.region"() ({
      %run_scoped3A = tpu.sem_alloc : memref<!tpu.dma_semaphore, #tpu.memory_space<semaphore_mem>>
      %dma_start3A = tpu.memref_slice %arg2[%mul3A_8] : memref<786432xf32, #tpu.memory_space<hbm>> -> memref<12288xf32, #tpu.memory_space<hbm>>
      %dma_start3A_38 = tpu.memref_slice %arg2[%mul3A_8] : memref<786432xf32, #tpu.memory_space<hbm>> -> memref<12288xf32, #tpu.memory_space<hbm>>
      tpu.enqueue_dma source(%dma_start3A_38 : memref<12288xf32, #tpu.memory_space<hbm>>) target(%arg5 : memref<12288xf32, #tpu.memory_space<vmem>>) target_semaphore(%run_scoped3A : memref<!tpu.dma_semaphore, #tpu.memory_space<semaphore_mem>>)
      %dma_wait3A = tpu.memref_slice %arg2[%mul3A_8] : memref<786432xf32, #tpu.memory_space<hbm>> -> memref<12288xf32, #tpu.memory_space<hbm>>
      %dma_wait3A_39 = tpu.memref_slice %arg2[%mul3A_8] : memref<786432xf32, #tpu.memory_space<hbm>> -> memref<12288xf32, #tpu.memory_space<hbm>>
      tpu.wait_dma2 semaphore(%run_scoped3A : memref<!tpu.dma_semaphore, #tpu.memory_space<semaphore_mem>>) src(%dma_wait3A_39 : memref<12288xf32, #tpu.memory_space<hbm>>) dst(%arg5 : memref<12288xf32, #tpu.memory_space<vmem>>)
      tpu.yield
    }) : () -> ()
    %mul3A_9 = arith.constant 2048 : i32
    %mul3A_10 = arith.muli %add3A_4, %mul3A_9 : i32
    "tpu.region"() ({
      %run_scoped3A = tpu.sem_alloc : memref<!tpu.dma_semaphore, #tpu.memory_space<semaphore_mem>>
      %dma_start3A = tpu.memref_slice %arg3[%mul3A_10] : memref<131072xi32, #tpu.memory_space<hbm>> -> memref<2048xi32, #tpu.memory_space<hbm>>
      %dma_start3A_38 = tpu.memref_slice %arg3[%mul3A_10] : memref<131072xi32, #tpu.memory_space<hbm>> -> memref<2048xi32, #tpu.memory_space<hbm>>
      tpu.enqueue_dma source(%dma_start3A_38 : memref<2048xi32, #tpu.memory_space<hbm>>) target(%arg6 : memref<2048xi32, #tpu.memory_space<vmem>>) target_semaphore(%run_scoped3A : memref<!tpu.dma_semaphore, #tpu.memory_space<semaphore_mem>>)
      %dma_wait3A = tpu.memref_slice %arg3[%mul3A_10] : memref<131072xi32, #tpu.memory_space<hbm>> -> memref<2048xi32, #tpu.memory_space<hbm>>
      %dma_wait3A_39 = tpu.memref_slice %arg3[%mul3A_10] : memref<131072xi32, #tpu.memory_space<hbm>> -> memref<2048xi32, #tpu.memory_space<hbm>>
      tpu.wait_dma2 semaphore(%run_scoped3A : memref<!tpu.dma_semaphore, #tpu.memory_space<semaphore_mem>>) src(%dma_wait3A_39 : memref<2048xi32, #tpu.memory_space<hbm>>) dst(%arg6 : memref<2048xi32, #tpu.memory_space<vmem>>)
      tpu.yield
    }) : () -> ()
    %scan3A = arith.constant 0 : i32
    %scan3A_11 = arith.constant 128 : i32
    %scan3A_12 = arith.addi %scan3A, %scan3A_11 : i32
    %scan3A_13 = arith.constant 1 : i32
    scf.for %scan3A_38 = %scan3A to %scan3A_12 step %scan3A_13  : i32 {
      %mul3A_39 = arith.constant 16 : i32
      %mul3A_40 = arith.muli %scan3A_38, %mul3A_39 : i32
      %add3A_41 = arith.constant 0 : i32
      %add3A_42 = arith.addi %add3A_41, %mul3A_40 : i32
      %get3A = arith.index_cast %add3A_42 : i32 to index
      %get3A_43 = tpu.vector_load %arg6[%get3A] {strides = array<i32>} : memref<2048xi32, #tpu.memory_space<vmem>>, vector<16xi32>,
      %mul3A_44 = arith.constant 12 : i32
      %mul3A_45 = vector.broadcast %mul3A_44 : i32 to vector<16xi32>
      %mul3A_46 = arith.muli %get3A_43, %mul3A_45 : vector<16xi32>
      %add3A_47 = arith.constant 0 : i32
      %add3A_48 = vector.broadcast %add3A_47 : i32 to vector<16xi32>
      %add3A_49 = arith.addi %mul3A_46, %add3A_48 : vector<16xi32>
      %gather3A = tpu.vector_load_idx %arg5[%add3A_49] : memref<12288xf32, #tpu.memory_space<vmem>>[vector<16xi32>], vector<16xf32>,
      %add3A_50 = arith.constant 0 : i32
      %add3A_51 = arith.addi %add3A_50, %add3A_42 : i32
      %swap3A = arith.index_cast %add3A_51 : i32 to index
      %swap3A_52 = tpu.vector_load %arg7[%swap3A] {strides = array<i32>} : memref<24576xf32, #tpu.memory_space<vmem>>, vector<16xf32>,
      tpu.vector_store %arg7[%swap3A], %gather3A {strides = array<i32>} : memref<24576xf32, #tpu.memory_space<vmem>>, vector<16xf32>,
      %add3A_53 = arith.constant 1 : i32
      %add3A_54 = vector.broadcast %add3A_53 : i32 to vector<16xi32>
      %add3A_55 = arith.addi %mul3A_46, %add3A_54 : vector<16xi32>
      %gather3A_56 = tpu.vector_load_idx %arg5[%add3A_55] : memref<12288xf32, #tpu.memory_space<vmem>>[vector<16xi32>], vector<16xf32>,
      %add3A_57 = arith.constant 2048 : i32
      %add3A_58 = arith.addi %add3A_57, %add3A_42 : i32
      %swap3A_59 = arith.index_cast %add3A_58 : i32 to index
      %swap3A_60 = tpu.vector_load %arg7[%swap3A_59] {strides = array<i32>} : memref<24576xf32, #tpu.memory_space<vmem>>, vector<16xf32>,
      tpu.vector_store %arg7[%swap3A_59], %gather3A_56 {strides = array<i32>} : memref<24576xf32, #tpu.memory_space<vmem>>, vector<16xf32>,
      %add3A_61 = arith.constant 2 : i32
      %add3A_62 = vector.broadcast %add3A_61 : i32 to vector<16xi32>
      %add3A_63 = arith.addi %mul3A_46, %add3A_62 : vector<16xi32>
      %gather3A_64 = tpu.vector_load_idx %arg5[%add3A_63] : memref<12288xf32, #tpu.memory_space<vmem>>[vector<16xi32>], vector<16xf32>,
      %add3A_65 = arith.constant 4096 : i32
      %add3A_66 = arith.addi %add3A_65, %add3A_42 : i32
      %swap3A_67 = arith.index_cast %add3A_66 : i32 to index
      %swap3A_68 = tpu.vector_load %arg7[%swap3A_67] {strides = array<i32>} : memref<24576xf32, #tpu.memory_space<vmem>>, vector<16xf32>,
      tpu.vector_store %arg7[%swap3A_67], %gather3A_64 {strides = array<i32>} : memref<24576xf32, #tpu.memory_space<vmem>>, vector<16xf32>,
      %add3A_69 = arith.constant 3 : i32
      %add3A_70 = vector.broadcast %add3A_69 : i32 to vector<16xi32>
      %add3A_71 = arith.addi %mul3A_46, %add3A_70 : vector<16xi32>
      %gather3A_72 = tpu.vector_load_idx %arg5[%add3A_71] : memref<12288xf32, #tpu.memory_space<vmem>>[vector<16xi32>], vector<16xf32>,
      %add3A_73 = arith.constant 6144 : i32
      %add3A_74 = arith.addi %add3A_73, %add3A_42 : i32
      %swap3A_75 = arith.index_cast %add3A_74 : i32 to index
      %swap3A_76 = tpu.vector_load %arg7[%swap3A_75] {strides = array<i32>} : memref<24576xf32, #tpu.memory_space<vmem>>, vector<16xf32>,
      tpu.vector_store %arg7[%swap3A_75], %gather3A_72 {strides = array<i32>} : memref<24576xf32, #tpu.memory_space<vmem>>, vector<16xf32>,
      %add3A_77 = arith.constant 4 : i32
      %add3A_78 = vector.broadcast %add3A_77 : i32 to vector<16xi32>
      %add3A_79 = arith.addi %mul3A_46, %add3A_78 : vector<16xi32>
      %gather3A_80 = tpu.vector_load_idx %arg5[%add3A_79] : memref<12288xf32, #tpu.memory_space<vmem>>[vector<16xi32>], vector<16xf32>,
      %add3A_81 = arith.constant 8192 : i32
      %add3A_82 = arith.addi %add3A_81, %add3A_42 : i32
      %swap3A_83 = arith.index_cast %add3A_82 : i32 to index
      %swap3A_84 = tpu.vector_load %arg7[%swap3A_83] {strides = array<i32>} : memref<24576xf32, #tpu.memory_space<vmem>>, vector<16xf32>,
      tpu.vector_store %arg7[%swap3A_83], %gather3A_80 {strides = array<i32>} : memref<24576xf32, #tpu.memory_space<vmem>>, vector<16xf32>,
      %add3A_85 = arith.constant 5 : i32
      %add3A_86 = vector.broadcast %add3A_85 : i32 to vector<16xi32>
      %add3A_87 = arith.addi %mul3A_46, %add3A_86 : vector<16xi32>
      %gather3A_88 = tpu.vector_load_idx %arg5[%add3A_87] : memref<12288xf32, #tpu.memory_space<vmem>>[vector<16xi32>], vector<16xf32>,
      %add3A_89 = arith.constant 10240 : i32
      %add3A_90 = arith.addi %add3A_89, %add3A_42 : i32
      %swap3A_91 = arith.index_cast %add3A_90 : i32 to index
      %swap3A_92 = tpu.vector_load %arg7[%swap3A_91] {strides = array<i32>} : memref<24576xf32, #tpu.memory_space<vmem>>, vector<16xf32>,
      tpu.vector_store %arg7[%swap3A_91], %gather3A_88 {strides = array<i32>} : memref<24576xf32, #tpu.memory_space<vmem>>, vector<16xf32>,
      %add3A_93 = arith.constant 6 : i32
      %add3A_94 = vector.broadcast %add3A_93 : i32 to vector<16xi32>
      %add3A_95 = arith.addi %mul3A_46, %add3A_94 : vector<16xi32>
      %gather3A_96 = tpu.vector_load_idx %arg5[%add3A_95] : memref<12288xf32, #tpu.memory_space<vmem>>[vector<16xi32>], vector<16xf32>,
      %add3A_97 = arith.constant 12288 : i32
      %add3A_98 = arith.addi %add3A_97, %add3A_42 : i32
      %swap3A_99 = arith.index_cast %add3A_98 : i32 to index
      %swap3A_100 = tpu.vector_load %arg7[%swap3A_99] {strides = array<i32>} : memref<24576xf32, #tpu.memory_space<vmem>>, vector<16xf32>,
      tpu.vector_store %arg7[%swap3A_99], %gather3A_96 {strides = array<i32>} : memref<24576xf32, #tpu.memory_space<vmem>>, vector<16xf32>,
      %add3A_101 = arith.constant 7 : i32
      %add3A_102 = vector.broadcast %add3A_101 : i32 to vector<16xi32>
      %add3A_103 = arith.addi %mul3A_46, %add3A_102 : vector<16xi32>
      %gather3A_104 = tpu.vector_load_idx %arg5[%add3A_103] : memref<12288xf32, #tpu.memory_space<vmem>>[vector<16xi32>], vector<16xf32>,
      %add3A_105 = arith.constant 14336 : i32
      %add3A_106 = arith.addi %add3A_105, %add3A_42 : i32
      %swap3A_107 = arith.index_cast %add3A_106 : i32 to index
      %swap3A_108 = tpu.vector_load %arg7[%swap3A_107] {strides = array<i32>} : memref<24576xf32, #tpu.memory_space<vmem>>, vector<16xf32>,
      tpu.vector_store %arg7[%swap3A_107], %gather3A_104 {strides = array<i32>} : memref<24576xf32, #tpu.memory_space<vmem>>, vector<16xf32>,
      %add3A_109 = arith.constant 8 : i32
      %add3A_110 = vector.broadcast %add3A_109 : i32 to vector<16xi32>
      %add3A_111 = arith.addi %mul3A_46, %add3A_110 : vector<16xi32>
      %gather3A_112 = tpu.vector_load_idx %arg5[%add3A_111] : memref<12288xf32, #tpu.memory_space<vmem>>[vector<16xi32>], vector<16xf32>,
      %add3A_113 = arith.constant 16384 : i32
      %add3A_114 = arith.addi %add3A_113, %add3A_42 : i32
      %swap3A_115 = arith.index_cast %add3A_114 : i32 to index
      %swap3A_116 = tpu.vector_load %arg7[%swap3A_115] {strides = array<i32>} : memref<24576xf32, #tpu.memory_space<vmem>>, vector<16xf32>,
      tpu.vector_store %arg7[%swap3A_115], %gather3A_112 {strides = array<i32>} : memref<24576xf32, #tpu.memory_space<vmem>>, vector<16xf32>,
      %add3A_117 = arith.constant 9 : i32
      %add3A_118 = vector.broadcast %add3A_117 : i32 to vector<16xi32>
      %add3A_119 = arith.addi %mul3A_46, %add3A_118 : vector<16xi32>
      %gather3A_120 = tpu.vector_load_idx %arg5[%add3A_119] : memref<12288xf32, #tpu.memory_space<vmem>>[vector<16xi32>], vector<16xf32>,
      %add3A_121 = arith.constant 18432 : i32
      %add3A_122 = arith.addi %add3A_121, %add3A_42 : i32
      %swap3A_123 = arith.index_cast %add3A_122 : i32 to index
      %swap3A_124 = tpu.vector_load %arg7[%swap3A_123] {strides = array<i32>} : memref<24576xf32, #tpu.memory_space<vmem>>, vector<16xf32>,
      tpu.vector_store %arg7[%swap3A_123], %gather3A_120 {strides = array<i32>} : memref<24576xf32, #tpu.memory_space<vmem>>, vector<16xf32>,
      %add3A_125 = arith.constant 10 : i32
      %add3A_126 = vector.broadcast %add3A_125 : i32 to vector<16xi32>
      %add3A_127 = arith.addi %mul3A_46, %add3A_126 : vector<16xi32>
      %gather3A_128 = tpu.vector_load_idx %arg5[%add3A_127] : memref<12288xf32, #tpu.memory_space<vmem>>[vector<16xi32>], vector<16xf32>,
      %add3A_129 = arith.constant 20480 : i32
      %add3A_130 = arith.addi %add3A_129, %add3A_42 : i32
      %swap3A_131 = arith.index_cast %add3A_130 : i32 to index
      %swap3A_132 = tpu.vector_load %arg7[%swap3A_131] {strides = array<i32>} : memref<24576xf32, #tpu.memory_space<vmem>>, vector<16xf32>,
      tpu.vector_store %arg7[%swap3A_131], %gather3A_128 {strides = array<i32>} : memref<24576xf32, #tpu.memory_space<vmem>>, vector<16xf32>,
      %add3A_133 = arith.constant 11 : i32
      %add3A_134 = vector.broadcast %add3A_133 : i32 to vector<16xi32>
      %add3A_135 = arith.addi %mul3A_46, %add3A_134 : vector<16xi32>
      %gather3A_136 = tpu.vector_load_idx %arg5[%add3A_135] : memref<12288xf32, #tpu.memory_space<vmem>>[vector<16xi32>], vector<16xf32>,
      %add3A_137 = arith.constant 22528 : i32
      %add3A_138 = arith.addi %add3A_137, %add3A_42 : i32
      %swap3A_139 = arith.index_cast %add3A_138 : i32 to index
      %swap3A_140 = tpu.vector_load %arg7[%swap3A_139] {strides = array<i32>} : memref<24576xf32, #tpu.memory_space<vmem>>, vector<16xf32>,
      tpu.vector_store %arg7[%swap3A_139], %gather3A_136 {strides = array<i32>} : memref<24576xf32, #tpu.memory_space<vmem>>, vector<16xf32>,
    }
    %scan3A_14 = arith.constant 128 : i32
    %mul3A_15 = arith.constant 12 : i32
    %mul3A_16 = arith.muli %add3A_4, %mul3A_15 : i32
    %mul3A_17 = arith.constant 2048 : i32
    %mul3A_18 = arith.muli %mul3A_16, %mul3A_17 : i32
    "tpu.region"() ({
      %run_scoped3A = tpu.sem_alloc : memref<!tpu.dma_semaphore, #tpu.memory_space<semaphore_mem>>
      %dma_start3A = tpu.memref_slice %arg4[%mul3A_18] : memref<1572864xf32, #tpu.memory_space<hbm>> -> memref<24576xf32, #tpu.memory_space<hbm>>
      %dma_start3A_38 = tpu.memref_slice %arg4[%mul3A_18] : memref<1572864xf32, #tpu.memory_space<hbm>> -> memref<24576xf32, #tpu.memory_space<hbm>>
      tpu.enqueue_dma source(%arg7 : memref<24576xf32, #tpu.memory_space<vmem>>) target(%dma_start3A_38 : memref<24576xf32, #tpu.memory_space<hbm>>) target_semaphore(%run_scoped3A : memref<!tpu.dma_semaphore, #tpu.memory_space<semaphore_mem>>)
      %dma_wait3A = tpu.memref_slice %arg4[%mul3A_18] : memref<1572864xf32, #tpu.memory_space<hbm>> -> memref<24576xf32, #tpu.memory_space<hbm>>
      %dma_wait3A_39 = tpu.memref_slice %arg4[%mul3A_18] : memref<1572864xf32, #tpu.memory_space<hbm>> -> memref<24576xf32, #tpu.memory_space<hbm>>
      tpu.wait_dma2 semaphore(%run_scoped3A : memref<!tpu.dma_semaphore, #tpu.memory_space<semaphore_mem>>) src(%arg7 : memref<24576xf32, #tpu.memory_space<vmem>>) dst(%dma_wait3A_39 : memref<24576xf32, #tpu.memory_space<hbm>>)
      tpu.yield
    }) : () -> ()
    %mul3A_19 = arith.constant 2 : i32
    %mul3A_20 = arith.muli %add3A, %mul3A_19 : i32
    %add3A_21 = arith.constant 1 : i32
    %add3A_22 = arith.addi %mul3A_20, %add3A_21 : i32
    %mul3A_23 = arith.constant 1024 : i32
    %mul3A_24 = arith.muli %add3A_22, %mul3A_23 : i32
    %mul3A_25 = arith.constant 12 : i32
    %mul3A_26 = arith.muli %mul3A_24, %mul3A_25 : i32
    "tpu.region"() ({
      %run_scoped3A = tpu.sem_alloc : memref<!tpu.dma_semaphore, #tpu.memory_space<semaphore_mem>>
      %dma_start3A = tpu.memref_slice %arg2[%mul3A_26] : memref<786432xf32, #tpu.memory_space<hbm>> -> memref<12288xf32, #tpu.memory_space<hbm>>
      %dma_start3A_38 = tpu.memref_slice %arg2[%mul3A_26] : memref<786432xf32, #tpu.memory_space<hbm>> -> memref<12288xf32, #tpu.memory_space<hbm>>
      tpu.enqueue_dma source(%dma_start3A_38 : memref<12288xf32, #tpu.memory_space<hbm>>) target(%arg5 : memref<12288xf32, #tpu.memory_space<vmem>>) target_semaphore(%run_scoped3A : memref<!tpu.dma_semaphore, #tpu.memory_space<semaphore_mem>>)
      %dma_wait3A = tpu.memref_slice %arg2[%mul3A_26] : memref<786432xf32, #tpu.memory_space<hbm>> -> memref<12288xf32, #tpu.memory_space<hbm>>
      %dma_wait3A_39 = tpu.memref_slice %arg2[%mul3A_26] : memref<786432xf32, #tpu.memory_space<hbm>> -> memref<12288xf32, #tpu.memory_space<hbm>>
      tpu.wait_dma2 semaphore(%run_scoped3A : memref<!tpu.dma_semaphore, #tpu.memory_space<semaphore_mem>>) src(%dma_wait3A_39 : memref<12288xf32, #tpu.memory_space<hbm>>) dst(%arg5 : memref<12288xf32, #tpu.memory_space<vmem>>)
      tpu.yield
    }) : () -> ()
    %mul3A_27 = arith.constant 2048 : i32
    %mul3A_28 = arith.muli %add3A_22, %mul3A_27 : i32
    "tpu.region"() ({
      %run_scoped3A = tpu.sem_alloc : memref<!tpu.dma_semaphore, #tpu.memory_space<semaphore_mem>>
      %dma_start3A = tpu.memref_slice %arg3[%mul3A_28] : memref<131072xi32, #tpu.memory_space<hbm>> -> memref<2048xi32, #tpu.memory_space<hbm>>
      %dma_start3A_38 = tpu.memref_slice %arg3[%mul3A_28] : memref<131072xi32, #tpu.memory_space<hbm>> -> memref<2048xi32, #tpu.memory_space<hbm>>
      tpu.enqueue_dma source(%dma_start3A_38 : memref<2048xi32, #tpu.memory_space<hbm>>) target(%arg6 : memref<2048xi32, #tpu.memory_space<vmem>>) target_semaphore(%run_scoped3A : memref<!tpu.dma_semaphore, #tpu.memory_space<semaphore_mem>>)
      %dma_wait3A = tpu.memref_slice %arg3[%mul3A_28] : memref<131072xi32, #tpu.memory_space<hbm>> -> memref<2048xi32, #tpu.memory_space<hbm>>
      %dma_wait3A_39 = tpu.memref_slice %arg3[%mul3A_28] : memref<131072xi32, #tpu.memory_space<hbm>> -> memref<2048xi32, #tpu.memory_space<hbm>>
      tpu.wait_dma2 semaphore(%run_scoped3A : memref<!tpu.dma_semaphore, #tpu.memory_space<semaphore_mem>>) src(%dma_wait3A_39 : memref<2048xi32, #tpu.memory_space<hbm>>) dst(%arg6 : memref<2048xi32, #tpu.memory_space<vmem>>)
      tpu.yield
    }) : () -> ()
    %scan3A_29 = arith.constant 0 : i32
    %scan3A_30 = arith.constant 128 : i32
    %scan3A_31 = arith.addi %scan3A_29, %scan3A_30 : i32
    %scan3A_32 = arith.constant 1 : i32
    scf.for %scan3A_38 = %scan3A_29 to %scan3A_31 step %scan3A_32  : i32 {
      %mul3A_39 = arith.constant 16 : i32
      %mul3A_40 = arith.muli %scan3A_38, %mul3A_39 : i32
      %add3A_41 = arith.constant 0 : i32
      %add3A_42 = arith.addi %add3A_41, %mul3A_40 : i32
      %get3A = arith.index_cast %add3A_42 : i32 to index
      %get3A_43 = tpu.vector_load %arg6[%get3A] {strides = array<i32>} : memref<2048xi32, #tpu.memory_space<vmem>>, vector<16xi32>,
      %mul3A_44 = arith.constant 12 : i32
      %mul3A_45 = vector.broadcast %mul3A_44 : i32 to vector<16xi32>
      %mul3A_46 = arith.muli %get3A_43, %mul3A_45 : vector<16xi32>
      %add3A_47 = arith.constant 0 : i32
      %add3A_48 = vector.broadcast %add3A_47 : i32 to vector<16xi32>
      %add3A_49 = arith.addi %mul3A_46, %add3A_48 : vector<16xi32>
      %gather3A = tpu.vector_load_idx %arg5[%add3A_49] : memref<12288xf32, #tpu.memory_space<vmem>>[vector<16xi32>], vector<16xf32>,
      %add3A_50 = arith.constant 0 : i32
      %add3A_51 = arith.addi %add3A_50, %add3A_42 : i32
      %swap3A = arith.index_cast %add3A_51 : i32 to index
      %swap3A_52 = tpu.vector_load %arg7[%swap3A] {strides = array<i32>} : memref<24576xf32, #tpu.memory_space<vmem>>, vector<16xf32>,
      tpu.vector_store %arg7[%swap3A], %gather3A {strides = array<i32>} : memref<24576xf32, #tpu.memory_space<vmem>>, vector<16xf32>,
      %add3A_53 = arith.constant 1 : i32
      %add3A_54 = vector.broadcast %add3A_53 : i32 to vector<16xi32>
      %add3A_55 = arith.addi %mul3A_46, %add3A_54 : vector<16xi32>
      %gather3A_56 = tpu.vector_load_idx %arg5[%add3A_55] : memref<12288xf32, #tpu.memory_space<vmem>>[vector<16xi32>], vector<16xf32>,
      %add3A_57 = arith.constant 2048 : i32
      %add3A_58 = arith.addi %add3A_57, %add3A_42 : i32
      %swap3A_59 = arith.index_cast %add3A_58 : i32 to index
      %swap3A_60 = tpu.vector_load %arg7[%swap3A_59] {strides = array<i32>} : memref<24576xf32, #tpu.memory_space<vmem>>, vector<16xf32>,
      tpu.vector_store %arg7[%swap3A_59], %gather3A_56 {strides = array<i32>} : memref<24576xf32, #tpu.memory_space<vmem>>, vector<16xf32>,
      %add3A_61 = arith.constant 2 : i32
      %add3A_62 = vector.broadcast %add3A_61 : i32 to vector<16xi32>
      %add3A_63 = arith.addi %mul3A_46, %add3A_62 : vector<16xi32>
      %gather3A_64 = tpu.vector_load_idx %arg5[%add3A_63] : memref<12288xf32, #tpu.memory_space<vmem>>[vector<16xi32>], vector<16xf32>,
      %add3A_65 = arith.constant 4096 : i32
      %add3A_66 = arith.addi %add3A_65, %add3A_42 : i32
      %swap3A_67 = arith.index_cast %add3A_66 : i32 to index
      %swap3A_68 = tpu.vector_load %arg7[%swap3A_67] {strides = array<i32>} : memref<24576xf32, #tpu.memory_space<vmem>>, vector<16xf32>,
      tpu.vector_store %arg7[%swap3A_67], %gather3A_64 {strides = array<i32>} : memref<24576xf32, #tpu.memory_space<vmem>>, vector<16xf32>,
      %add3A_69 = arith.constant 3 : i32
      %add3A_70 = vector.broadcast %add3A_69 : i32 to vector<16xi32>
      %add3A_71 = arith.addi %mul3A_46, %add3A_70 : vector<16xi32>
      %gather3A_72 = tpu.vector_load_idx %arg5[%add3A_71] : memref<12288xf32, #tpu.memory_space<vmem>>[vector<16xi32>], vector<16xf32>,
      %add3A_73 = arith.constant 6144 : i32
      %add3A_74 = arith.addi %add3A_73, %add3A_42 : i32
      %swap3A_75 = arith.index_cast %add3A_74 : i32 to index
      %swap3A_76 = tpu.vector_load %arg7[%swap3A_75] {strides = array<i32>} : memref<24576xf32, #tpu.memory_space<vmem>>, vector<16xf32>,
      tpu.vector_store %arg7[%swap3A_75], %gather3A_72 {strides = array<i32>} : memref<24576xf32, #tpu.memory_space<vmem>>, vector<16xf32>,
      %add3A_77 = arith.constant 4 : i32
      %add3A_78 = vector.broadcast %add3A_77 : i32 to vector<16xi32>
      %add3A_79 = arith.addi %mul3A_46, %add3A_78 : vector<16xi32>
      %gather3A_80 = tpu.vector_load_idx %arg5[%add3A_79] : memref<12288xf32, #tpu.memory_space<vmem>>[vector<16xi32>], vector<16xf32>,
      %add3A_81 = arith.constant 8192 : i32
      %add3A_82 = arith.addi %add3A_81, %add3A_42 : i32
      %swap3A_83 = arith.index_cast %add3A_82 : i32 to index
      %swap3A_84 = tpu.vector_load %arg7[%swap3A_83] {strides = array<i32>} : memref<24576xf32, #tpu.memory_space<vmem>>, vector<16xf32>,
      tpu.vector_store %arg7[%swap3A_83], %gather3A_80 {strides = array<i32>} : memref<24576xf32, #tpu.memory_space<vmem>>, vector<16xf32>,
      %add3A_85 = arith.constant 5 : i32
      %add3A_86 = vector.broadcast %add3A_85 : i32 to vector<16xi32>
      %add3A_87 = arith.addi %mul3A_46, %add3A_86 : vector<16xi32>
      %gather3A_88 = tpu.vector_load_idx %arg5[%add3A_87] : memref<12288xf32, #tpu.memory_space<vmem>>[vector<16xi32>], vector<16xf32>,
      %add3A_89 = arith.constant 10240 : i32
      %add3A_90 = arith.addi %add3A_89, %add3A_42 : i32
      %swap3A_91 = arith.index_cast %add3A_90 : i32 to index
      %swap3A_92 = tpu.vector_load %arg7[%swap3A_91] {strides = array<i32>} : memref<24576xf32, #tpu.memory_space<vmem>>, vector<16xf32>,
      tpu.vector_store %arg7[%swap3A_91], %gather3A_88 {strides = array<i32>} : memref<24576xf32, #tpu.memory_space<vmem>>, vector<16xf32>,
      %add3A_93 = arith.constant 6 : i32
      %add3A_94 = vector.broadcast %add3A_93 : i32 to vector<16xi32>
      %add3A_95 = arith.addi %mul3A_46, %add3A_94 : vector<16xi32>
      %gather3A_96 = tpu.vector_load_idx %arg5[%add3A_95] : memref<12288xf32, #tpu.memory_space<vmem>>[vector<16xi32>], vector<16xf32>,
      %add3A_97 = arith.constant 12288 : i32
      %add3A_98 = arith.addi %add3A_97, %add3A_42 : i32
      %swap3A_99 = arith.index_cast %add3A_98 : i32 to index
      %swap3A_100 = tpu.vector_load %arg7[%swap3A_99] {strides = array<i32>} : memref<24576xf32, #tpu.memory_space<vmem>>, vector<16xf32>,
      tpu.vector_store %arg7[%swap3A_99], %gather3A_96 {strides = array<i32>} : memref<24576xf32, #tpu.memory_space<vmem>>, vector<16xf32>,
      %add3A_101 = arith.constant 7 : i32
      %add3A_102 = vector.broadcast %add3A_101 : i32 to vector<16xi32>
      %add3A_103 = arith.addi %mul3A_46, %add3A_102 : vector<16xi32>
      %gather3A_104 = tpu.vector_load_idx %arg5[%add3A_103] : memref<12288xf32, #tpu.memory_space<vmem>>[vector<16xi32>], vector<16xf32>,
      %add3A_105 = arith.constant 14336 : i32
      %add3A_106 = arith.addi %add3A_105, %add3A_42 : i32
      %swap3A_107 = arith.index_cast %add3A_106 : i32 to index
      %swap3A_108 = tpu.vector_load %arg7[%swap3A_107] {strides = array<i32>} : memref<24576xf32, #tpu.memory_space<vmem>>, vector<16xf32>,
      tpu.vector_store %arg7[%swap3A_107], %gather3A_104 {strides = array<i32>} : memref<24576xf32, #tpu.memory_space<vmem>>, vector<16xf32>,
      %add3A_109 = arith.constant 8 : i32
      %add3A_110 = vector.broadcast %add3A_109 : i32 to vector<16xi32>
      %add3A_111 = arith.addi %mul3A_46, %add3A_110 : vector<16xi32>
      %gather3A_112 = tpu.vector_load_idx %arg5[%add3A_111] : memref<12288xf32, #tpu.memory_space<vmem>>[vector<16xi32>], vector<16xf32>,
      %add3A_113 = arith.constant 16384 : i32
      %add3A_114 = arith.addi %add3A_113, %add3A_42 : i32
      %swap3A_115 = arith.index_cast %add3A_114 : i32 to index
      %swap3A_116 = tpu.vector_load %arg7[%swap3A_115] {strides = array<i32>} : memref<24576xf32, #tpu.memory_space<vmem>>, vector<16xf32>,
      tpu.vector_store %arg7[%swap3A_115], %gather3A_112 {strides = array<i32>} : memref<24576xf32, #tpu.memory_space<vmem>>, vector<16xf32>,
      %add3A_117 = arith.constant 9 : i32
      %add3A_118 = vector.broadcast %add3A_117 : i32 to vector<16xi32>
      %add3A_119 = arith.addi %mul3A_46, %add3A_118 : vector<16xi32>
      %gather3A_120 = tpu.vector_load_idx %arg5[%add3A_119] : memref<12288xf32, #tpu.memory_space<vmem>>[vector<16xi32>], vector<16xf32>,
      %add3A_121 = arith.constant 18432 : i32
      %add3A_122 = arith.addi %add3A_121, %add3A_42 : i32
      %swap3A_123 = arith.index_cast %add3A_122 : i32 to index
      %swap3A_124 = tpu.vector_load %arg7[%swap3A_123] {strides = array<i32>} : memref<24576xf32, #tpu.memory_space<vmem>>, vector<16xf32>,
      tpu.vector_store %arg7[%swap3A_123], %gather3A_120 {strides = array<i32>} : memref<24576xf32, #tpu.memory_space<vmem>>, vector<16xf32>,
      %add3A_125 = arith.constant 10 : i32
      %add3A_126 = vector.broadcast %add3A_125 : i32 to vector<16xi32>
      %add3A_127 = arith.addi %mul3A_46, %add3A_126 : vector<16xi32>
      %gather3A_128 = tpu.vector_load_idx %arg5[%add3A_127] : memref<12288xf32, #tpu.memory_space<vmem>>[vector<16xi32>], vector<16xf32>,
      %add3A_129 = arith.constant 20480 : i32
      %add3A_130 = arith.addi %add3A_129, %add3A_42 : i32
      %swap3A_131 = arith.index_cast %add3A_130 : i32 to index
      %swap3A_132 = tpu.vector_load %arg7[%swap3A_131] {strides = array<i32>} : memref<24576xf32, #tpu.memory_space<vmem>>, vector<16xf32>,
      tpu.vector_store %arg7[%swap3A_131], %gather3A_128 {strides = array<i32>} : memref<24576xf32, #tpu.memory_space<vmem>>, vector<16xf32>,
      %add3A_133 = arith.constant 11 : i32
      %add3A_134 = vector.broadcast %add3A_133 : i32 to vector<16xi32>
      %add3A_135 = arith.addi %mul3A_46, %add3A_134 : vector<16xi32>
      %gather3A_136 = tpu.vector_load_idx %arg5[%add3A_135] : memref<12288xf32, #tpu.memory_space<vmem>>[vector<16xi32>], vector<16xf32>,
      %add3A_137 = arith.constant 22528 : i32
      %add3A_138 = arith.addi %add3A_137, %add3A_42 : i32
      %swap3A_139 = arith.index_cast %add3A_138 : i32 to index
      %swap3A_140 = tpu.vector_load %arg7[%swap3A_139] {strides = array<i32>} : memref<24576xf32, #tpu.memory_space<vmem>>, vector<16xf32>,
      tpu.vector_store %arg7[%swap3A_139], %gather3A_136 {strides = array<i32>} : memref<24576xf32, #tpu.memory_space<vmem>>, vector<16xf32>,
    }
    %scan3A_33 = arith.constant 128 : i32
    %mul3A_34 = arith.constant 12 : i32
    %mul3A_35 = arith.muli %add3A_22, %mul3A_34 : i32
    %mul3A_36 = arith.constant 2048 : i32
    %mul3A_37 = arith.muli %mul3A_35, %mul3A_36 : i32
    "tpu.region"() ({
      %run_scoped3A = tpu.sem_alloc : memref<!tpu.dma_semaphore, #tpu.memory_space<semaphore_mem>>
      %dma_start3A = tpu.memref_slice %arg4[%mul3A_37] : memref<1572864xf32, #tpu.memory_space<hbm>> -> memref<24576xf32, #tpu.memory_space<hbm>>
      %dma_start3A_38 = tpu.memref_slice %arg4[%mul3A_37] : memref<1572864xf32, #tpu.memory_space<hbm>> -> memref<24576xf32, #tpu.memory_space<hbm>>
      tpu.enqueue_dma source(%arg7 : memref<24576xf32, #tpu.memory_space<vmem>>) target(%dma_start3A_38 : memref<24576xf32, #tpu.memory_space<hbm>>) target_semaphore(%run_scoped3A : memref<!tpu.dma_semaphore, #tpu.memory_space<semaphore_mem>>)
      %dma_wait3A = tpu.memref_slice %arg4[%mul3A_37] : memref<1572864xf32, #tpu.memory_space<hbm>> -> memref<24576xf32, #tpu.memory_space<hbm>>
      %dma_wait3A_39 = tpu.memref_slice %arg4[%mul3A_37] : memref<1572864xf32, #tpu.memory_space<hbm>> -> memref<24576xf32, #tpu.memory_space<hbm>>
      tpu.wait_dma2 semaphore(%run_scoped3A : memref<!tpu.dma_semaphore, #tpu.memory_space<semaphore_mem>>) src(%arg7 : memref<24576xf32, #tpu.memory_space<vmem>>) dst(%dma_wait3A_39 : memref<24576xf32, #tpu.memory_space<hbm>>)
      tpu.yield
    }) : () -> ()
    return
  }
}

module attributes {stable_mosaic.version = 14 : i64} {
  func.func @_keys_kernel(%arg0: i32, %arg1: memref<256x768xf32, #tpu.memory_space<vmem>>, %arg2: memref<768x768xf32, #tpu.memory_space<vmem>>, %arg3: memref<256x768xf32, #tpu.memory_space<vmem>>) attributes {dimension_semantics = [#tpu.dimension_semantics<arbitrary>], iteration_bounds = array<i64: 8>, scalar_prefetch = 0 : i64, scratch_operands = 0 : i64, tpu.core_type = #tpu.core_type<tc>, window_params = [{transform_indices = @transform_0, window_bounds = array<i64: 256, 768>}, {pipeline_mode = #tpu.pipeline_mode<synchronous>, transform_indices = @transform_1, window_bounds = array<i64: 768, 768>}, {transform_indices = @transform_2, window_bounds = array<i64: 256, 768>}]} {
    %get3A = arith.constant 0 : index
    %get3A_0 = arith.constant 0 : index
    %get3A_1 = vector.load %arg1[%get3A, %get3A_0] : memref<256x768xf32, #tpu.memory_space<vmem>>, vector<256x768xf32>
    %get3A_2 = arith.constant 0 : index
    %get3A_3 = arith.constant 0 : index
    %get3A_4 = vector.load %arg2[%get3A_2, %get3A_3] : memref<768x768xf32, #tpu.memory_space<vmem>>, vector<768x768xf32>
    %dot_general3A = arith.constant dense<0.000000e+00> : vector<256x768xf32>
    %dot_general3A_5 = tpu.matmul %get3A_1, %get3A_4, %dot_general3A {dimension_numbers = #tpu.dot_dimension_numbers<[1], [0], [0], [1], [0, 0, 1, 1], [], []>, transpose_lhs_hint = false} : vector<256x768xf32>, vector<768x768xf32>, vector<256x768xf32> -> vector<256x768xf32>
    %swap3A = arith.constant 0 : index
    %swap3A_6 = arith.constant 0 : index
    %swap3A_7 = vector.load %arg3[%swap3A, %swap3A_6] : memref<256x768xf32, #tpu.memory_space<vmem>>, vector<256x768xf32>
    tpu.vector_store %arg3[%swap3A, %swap3A_6], %dot_general3A_5 {strides = array<i32>} : memref<256x768xf32, #tpu.memory_space<vmem>>, vector<256x768xf32>,
    return
  }
  func.func @transform_0(%arg0: i32) -> (i32, i32) {
    %c0_i32 = arith.constant 0 : i32
    %c0_i32_0 = arith.constant 0 : i32
    return %arg0, %c0_i32 : i32, i32
  }
  func.func @transform_1(%arg0: i32) -> (i32, i32) {
    %c0_i32 = arith.constant 0 : i32
    %c0_i32_0 = arith.constant 0 : i32
    %c0_i32_1 = arith.constant 0 : i32
    return %c0_i32, %c0_i32_0 : i32, i32
  }
  func.func @transform_2(%arg0: i32) -> (i32, i32) {
    %c0_i32 = arith.constant 0 : i32
    %c0_i32_0 = arith.constant 0 : i32
    return %arg0, %c0_i32 : i32, i32
  }
}

module attributes {stable_mosaic.version = 14 : i64} {
  func.func @_argmin_kernel(%arg0: i32, %arg1: memref<1x2048x12xf32, #tpu.memory_space<vmem>>, %arg2: memref<1x1024x12xf32, #tpu.memory_space<vmem>>, %arg3: memref<1x1x2048xi32, #tpu.memory_space<vmem>>) attributes {dimension_semantics = [#tpu.dimension_semantics<arbitrary>], iteration_bounds = array<i64: 64>, scalar_prefetch = 0 : i64, scratch_operands = 0 : i64, tpu.core_type = #tpu.core_type<tc>, window_params = [{transform_indices = @transform_0, window_bounds = array<i64: 1, 2048, 12>}, {transform_indices = @transform_1, window_bounds = array<i64: 1, 1024, 12>}, {transform_indices = @transform_2, window_bounds = array<i64: 1, 1, 2048>}]} {
    %get3A = arith.constant 0 : index
    %get3A_0 = arith.constant 0 : index
    %get3A_1 = arith.constant 0 : index
    %get3A_2 = vector.load %arg1[%get3A, %get3A_0, %get3A_1] : memref<1x2048x12xf32, #tpu.memory_space<vmem>>, vector<1x2048x12xf32>
    %get3A_3 = vector.shape_cast %get3A_2 : vector<1x2048x12xf32> to vector<2048x12xf32>
    %get3A_4 = arith.constant 0 : index
    %get3A_5 = arith.constant 0 : index
    %get3A_6 = arith.constant 0 : index
    %get3A_7 = vector.load %arg2[%get3A_4, %get3A_5, %get3A_6] : memref<1x1024x12xf32, #tpu.memory_space<vmem>>, vector<1x1024x12xf32>
    %get3A_8 = vector.shape_cast %get3A_7 : vector<1x1024x12xf32> to vector<1024x12xf32>
    %mul3A = arith.constant -2.000000e+00 : f32
    %mul3A_9 = vector.broadcast %mul3A : f32 to vector<1024x12xf32>
    %mul3A_10 = arith.mulf %get3A_8, %mul3A_9 : vector<1024x12xf32>
    %dot_general3A = arith.constant dense<0.000000e+00> : vector<2048x1024xf32>
    %dot_general3A_11 = tpu.matmul %get3A_3, %mul3A_10, %dot_general3A {dimension_numbers = #tpu.dot_dimension_numbers<[1], [1], [0], [0], [0, 0, 1, 0], [], []>, transpose_lhs_hint = false} : vector<2048x12xf32>, vector<1024x12xf32>, vector<2048x1024xf32> -> vector<2048x1024xf32>
    %mul3A_12 = arith.mulf %get3A_8, %get3A_8 : vector<1024x12xf32>
    %reduce_sum3A = arith.constant dense<0.000000e+00> : vector<1024xf32>
    %reduce_sum3A_13 = vector.multi_reduction <add>, %mul3A_12, %reduce_sum3A [1] : vector<1024x12xf32> to vector<1024xf32>
    %mul3A_14 = arith.mulf %get3A_3, %get3A_3 : vector<2048x12xf32>
    %reduce_sum3A_15 = arith.constant dense<0.000000e+00> : vector<2048xf32>
    %reduce_sum3A_16 = vector.multi_reduction <add>, %mul3A_14, %reduce_sum3A_15 [1] : vector<2048x12xf32> to vector<2048xf32>
    %broadcast_in_dim3A = vector.shape_cast %reduce_sum3A_16 : vector<2048xf32> to vector<2048x1xf32>
    %add3A = vector.broadcast %broadcast_in_dim3A : vector<2048x1xf32> to vector<2048x1024xf32>
    %add3A_17 = arith.addf %add3A, %dot_general3A_11 : vector<2048x1024xf32>
    %broadcast_in_dim3A_18 = vector.shape_cast %reduce_sum3A_13 : vector<1024xf32> to vector<1x1024xf32>
    %add3A_19 = vector.broadcast %broadcast_in_dim3A_18 : vector<1x1024xf32> to vector<2048x1024xf32>
    %add3A_20 = arith.addf %add3A_17, %add3A_19 : vector<2048x1024xf32>
    %reduce_min3A = arith.constant dense<0x7F800000> : vector<2048xf32>
    %reduce_min3A_21 = vector.multi_reduction <minimumf>, %add3A_20, %reduce_min3A [1] : vector<2048x1024xf32> to vector<2048xf32>
    %broadcast_in_dim3A_22 = vector.shape_cast %reduce_min3A_21 : vector<2048xf32> to vector<2048x1xf32>
    %iota3A = tpu.iota {dimensions = array<i32: 1>} : vector<2048x1024xi32>
    %le3A = vector.broadcast %broadcast_in_dim3A_22 : vector<2048x1xf32> to vector<2048x1024xf32>
    %le3A_23 = arith.cmpf ole, %add3A_20, %le3A : vector<2048x1024xf32>
    %jit3A = arith.constant 1024 : i32
    %broadcast_in_dim3A_24 = vector.broadcast %jit3A : i32 to vector<2048x1024xi32>
    %select_n3A = arith.select %le3A_23, %iota3A, %broadcast_in_dim3A_24 : vector<2048x1024xi1>, vector<2048x1024xi32>
    %reduce_min3A_25 = arith.constant dense<2147483647> : vector<2048xi32>
    %reduce_min3A_26 = vector.multi_reduction <minsi>, %select_n3A, %reduce_min3A_25 [1] : vector<2048x1024xi32> to vector<2048xi32>
    %swap3A = arith.constant 0 : index
    %swap3A_27 = arith.constant 0 : index
    %swap3A_28 = arith.constant 0 : index
    %swap3A_29 = vector.load %arg3[%swap3A, %swap3A_27, %swap3A_28] : memref<1x1x2048xi32, #tpu.memory_space<vmem>>, vector<1x1x2048xi32>
    %swap3A_30 = vector.shape_cast %swap3A_29 : vector<1x1x2048xi32> to vector<2048xi32>
    %swap3A_31 = vector.shape_cast %reduce_min3A_26 : vector<2048xi32> to vector<1x1x2048xi32>
    tpu.vector_store %arg3[%swap3A, %swap3A_27, %swap3A_28], %swap3A_31 {strides = array<i32>} : memref<1x1x2048xi32, #tpu.memory_space<vmem>>, vector<1x1x2048xi32>,
    return
  }
  func.func @transform_0(%arg0: i32) -> (i32, i32, i32) {
    %c0_i32 = arith.constant 0 : i32
    %c0_i32_0 = arith.constant 0 : i32
    %c0_i32_1 = arith.constant 0 : i32
    return %arg0, %c0_i32, %c0_i32_0 : i32, i32, i32
  }
  func.func @transform_1(%arg0: i32) -> (i32, i32, i32) {
    %c0_i32 = arith.constant 0 : i32
    %c0_i32_0 = arith.constant 0 : i32
    %c0_i32_1 = arith.constant 0 : i32
    return %arg0, %c0_i32, %c0_i32_0 : i32, i32, i32
  }
  func.func @transform_2(%arg0: i32) -> (i32, i32, i32) {
    %c0_i32 = arith.constant 0 : i32
    %c0_i32_0 = arith.constant 0 : i32
    %c0_i32_1 = arith.constant 0 : i32
    return %arg0, %c0_i32, %c0_i32_0 : i32, i32, i32
  }
}

</mosaic_0001>

<sc_bundles>
// kernel: kernel.5.cloned.1.call-start
scs
__scs_entry_jumppad:
0x0: {  	(pc) =	sbr.rel $0x88, $3  }
0x1: {  	(tag) =	ssettag $0x0;
	lr =	simm.s32 $0x1  }
0x2: {  	[smem:$0x3F9D] =	sst lr;
	_ =	strace $0xD0000000  }
0x3: {  	_ = 	snop  }
0x4: {  	_ = 	snop  }
0x5: {  	_ = 	snop  }
0x6: {  	_ = 	snop  }
0x7: {  	_ = 	snop  }
__scs_overlays_trampoline_lowered:
0x8: {  	[smem:$0x3FAC] =	sst s0  }
0x9: {  	[smem:$0x3FAD] =	sst s1  }
0xa: {  	[smem:$0x3FAE] =	sst s2  }
0xb: {  	[smem:$0x3FAF] =	sst s3  }
0xc: {  	[smem:$0x3FB0] =	sst s4  }
0xd: {  	[smem:$0x3FB1] =	sst s5  }
0xe: {  	[smem:$0x3FB2] =	sst s6  }
0xf: {  	[smem:$0x3FB3] =	sst s7  }
0x10: {  	[smem:$0x3FB4] =	sst s8  }
0x11: {  	[smem:$0x3FB5] =	sst s9;
	s0 =	simm.s32 @!p0 $0x0  }
0x12: {  	s1 =	sld [smem:$0x3F9B];
	s0 =	simm.s32 @p0 $0x1  }
0x13: {  	[smem:$0x3FB6] =	sst s0;
	s0 =	simm.s32 @!p1 $0x0  }
0x14: {  	s2 =	sld [smem:$0x3F9A];
	s0 =	simm.s32 @p1 $0x1  }
0x15: {  	[smem:$0x3FB7] =	sst s0;
	s0 =	simm.s32 @!p2 $0x0  }
0x16: {  	s3 =	sld [smem:$0x3FDB];
	s0 =	simm.s32 @p2 $0x1  }
0x17: {  	s4 =	simm.s32 $0x1BF5;
	[smem:$0x3FB9] =	sst s0  }
0x18: {  	s0 =	sld [smem:$0x3F9C];
	_ =	swait.ge [sflag:s4], $0x0  }
0x19: {  	s7 =	sld [smem:$0x3F9D]  }
0x1a: {  	s8 =	sadd.s32 $0xFFFFE003, lr  }
0x1b: {  	s9 =	sadd.s32 $0xFFFFFEF7, lr;
	s5 =	simm.s32 $0xFFFFFFFF;
	p2 =	slt.u32 s8, $0xFFFFF086  }
0x1c: {  	p1 =	slt.u32 s9, $0xF7A;
	s5 =	simm.s32 @!p2 $0x0  }
0x1d: {  	s5 =	simm.s32 @p1 $0x1;
	p0 =	seq.s32 s7, s2  }
0x1e: {  	s7 =	smul.u32 @!p0 $0xF7A, s2;
	p2 =	seq.s32 @!p0 s5, $0x0  }
0x1f: {  	s9 =	smul.u32 $0xF7A, s1;
	s8 =	simm.s32 @!p0 $0x1BF5;
	p2 =	por !p2, p0  }
0x20: {  	[sflag:s8] =	ssyncset.s32 @!p0 $0xFFFFF086;
	s6 =	sadd.s32 @!p0 s3, s7;
	s7 =	simm.s32 @!p0 $0x108  }
0x21: {  	s3 =	sadd.s32 s3, s9;
	s6 =	sadd.s32 @!p0 $0x88, s6;
	s7 =	simm.s32 @p2 $0x1082  }
0x22: {  	[simem:s7], [sflag:s8] =	dma.local @!p0 [hbm:s6], $0xF7A  }
0x23: {  	s9 =	sor.u32 $0xD0000000, s2;
	s6 =	simm.s32 $0x108;
	_ =	swait.ge @!p0 [sflag:s8], $0x0  }
0x24: {  	s3 =	sadd.s32 $0x88, s3;
	s6 =	simm.s32 @!p1 $0x1082;
	[sflag:s4] =	ssyncset.s32 $0xFFFFF086  }
0x25: {  	[simem:s6], [sflag:s4] =	dma.local [hbm:s3], $0xF7A  }
0x26: {  	[smem:$0x3F9D] =	sst s1;
	(tag) =	ssettag s2;
	_ =	strace s9  }
0x27: {  	s1 =	sld [smem:$0x3FAD]  }
0x28: {  	s2 =	sld [smem:$0x3FAE]  }
0x29: {  	s4 =	sld [smem:$0x3FB0]  }
0x2a: {  	p0 =	seq.s32 s5, $0x0;
	s5 =	sld [smem:$0x3FB1]  }
0x2b: {  	s6 =	sld [smem:$0x3FB2]  }
0x2c: {  	s7 =	sld [smem:$0x3FB3]  }
0x2d: {  	s3 =	simm.s32 $0x108;
	s8 =	sld [smem:$0x3FB4]  }
0x2e: {  	s3 =	simm.s32 @!p0 $0x1082;
	s9 =	sld [smem:$0x3FB5]  }
0x2f: {  	lr =	sadd.s32 s0, s3;
	s0 =	sld [smem:$0x3FAC]  }
0x30: {  	s3 =	sld [smem:$0x3FAF]  }
0x31: {  	[smem:$0x3FB8] =	sst s10  }
0x32: {  	s10 =	sld [smem:$0x3FB6];
	_ =	sdelay $0x3  }
0x33: {  	p0 =	seq.s32 s10, $0x1;
	s10 =	sld [smem:$0x3FB8];
	_ =	sdelay $0x3  }
0x34: {  	[smem:$0x3FB8] =	sst s10  }
0x35: {  	s10 =	sld [smem:$0x3FB7];
	_ =	sdelay $0x3  }
0x36: {  	p1 =	seq.s32 s10, $0x1;
	s10 =	sld [smem:$0x3FB8];
	_ =	sdelay $0x3  }
0x37: {  	[smem:$0x3FB8] =	sst s10  }
0x38: {  	s10 =	sld [smem:$0x3FB9]  }
0x39: {  	_ = 	snop;
	(pc) =	sbr.ind lr, $3  }
0x3a: {  	_ = 	snop  }
0x3b: {  	_ = 	snop  }
0x3c: {  	p2 =	seq.s32 s10, $0x1;
	s10 =	sld [smem:$0x3FB8]  }
0x3d: {  	_ =	shalt  }
0x3e: {  	_ =	shalt  }
0x3f: {  	_ =	shalt  }
0x40: {  	_ =	shalt  }
0x41: {  	_ =	shalt  }
0x42: {  	_ =	shalt  }
0x43: {  	_ =	shalt  }
0x44: {  	_ =	shalt  }
0x45: {  	_ =	shalt  }
0x46: {  	_ =	shalt  }
0x47: {  	_ =	shalt  }
0x48: {  	_ =	shalt  }
0x49: {  	_ =	shalt  }
0x4a: {  	_ =	shalt  }
0x4b: {  	_ =	shalt  }
0x4c: {  	_ =	shalt  }
0x4d: {  	_ =	shalt  }
0x4e: {  	_ =	shalt  }
0x4f: {  	_ =	shalt  }
0x50: {  	_ =	shalt  }
0x51: {  	_ =	shalt  }
0x52: {  	_ =	shalt  }
0x53: {  	_ =	shalt  }
0x54: {  	_ =	shalt  }
0x55: {  	_ =	shalt  }
0x56: {  	_ =	shalt  }
0x57: {  	_ =	shalt  }
0x58: {  	_ =	shalt  }
0x59: {  	_ =	shalt  }
0x5a: {  	_ =	shalt  }
0x5b: {  	_ =	shalt  }
0x5c: {  	_ =	shalt  }
0x5d: {  	_ =	shalt  }
0x5e: {  	_ =	shalt  }
0x5f: {  	_ =	shalt  }
0x60: {  	_ =	shalt  }
0x61: {  	_ =	shalt  }
0x62: {  	_ =	shalt  }
0x63: {  	_ =	shalt  }
0x64: {  	_ =	shalt  }
0x65: {  	_ =	shalt  }
0x66: {  	_ =	shalt  }
0x67: {  	_ =	shalt  }
0x68: {  	_ =	shalt  }
0x69: {  	_ =	shalt  }
0x6a: {  	_ =	shalt  }
0x6b: {  	_ =	shalt  }
0x6c: {  	_ =	shalt  }
0x6d: {  	_ =	shalt  }
0x6e: {  	_ =	shalt  }
0x6f: {  	_ =	shalt  }
0x70: {  	_ =	shalt  }
0x71: {  	_ =	shalt  }
0x72: {  	_ =	shalt  }
0x73: {  	_ =	shalt  }
0x74: {  	_ =	shalt  }
0x75: {  	_ =	shalt  }
0x76: {  	_ =	shalt  }
0x77: {  	_ =	shalt  }
0x78: {  	_ =	shalt  }
0x79: {  	_ =	shalt  }
0x7a: {  	_ =	shalt  }
0x7b: {  	_ =	shalt  }
0x7c: {  	_ =	shalt  }
0x7d: {  	_ =	shalt  }
0x7e: {  	_ =	shalt  }
0x7f: {  	_ =	shalt  }
0x80: {  	_ =	shalt  }
0x81: {  	_ =	shalt  }
0x82: {  	_ =	shalt  }
0x83: {  	_ =	shalt  }
0x84: {  	_ =	shalt  }
0x85: {  	_ =	shalt  }
0x86: {  	_ =	shalt  }
0x87: {  	_ =	shalt  }
.Lfunc_end0:
.L_simem_size_0:
called_computation_lowered:
.L_overlay_start_0:
0x88: {  	s2 =	sld [smem:$0x3FD9]  }
0x89: {  	s3 =	sld [smem:$0x3FFE];
	_ =	sdelay $0x1  }
0x8a: {  	s1 =	srdreg.scid  }
0x8b: {  	s0 =	sand.u32 $0x1, s1  }
0x8c: {  	s17 =	sshll.u32 s0, $0xA;
	s2 =	sadd.s32 s3, s2  }
0x8d: {  	s2 =	sadd.s32 s2, s17  }
0x8e: {  	[smem:$0x3FC4] =	sst s2  }
0x8f: {  	_ = 	snop  }
0x90: {  	s2 =	sld [smem:$0x3FD0];
	(tm) =	ssettm $0x1  }
0x91: {  	s18 =	sld [smem:$0x3FFB];
	_ =	sdelay $0x3  }
0x92: {  	_ =	strace s18  }
0x93: {  	s3 =	sld [smem:$0x3FFC];
	_ =	sdelay $0x3  }
0x94: {  	_ =	strace s3  }
0x95: {  	s3 =	sld [smem:$0x3FFD];
	_ =	sdelay $0x3  }
0x96: {  	_ =	strace s3  }
0x97: {  	_ =	strace $0x8FFFFFFF  }
0x98: {  	s19 =	sld [smem:$0x3FDB];
	_ =	sdelay $0x1  }
0x99: {  	s4 =	simm.s32 $_scs_section_size  }
0x9a: {  	s5 =	simm.s32 $_size__tile_overlayer_lowered;
	s6 =	simm.s32 $_tile_overlayer_lowered  }
0x9b: {  	s22 =	simm.s32 $0x1BFF;
	s21 =	sshll.u32 s6, $0x1;
	s3 =	sadd.s32 s4, s19  }
0x9c: {  	s7 =	simm.s32 $0x0;
	s20 =	sshll.u32 s5, $0x1;
	s5 =	sadd.s32 s21, s3  }
0x9d: {  	[timem:s7], [sflag:s22] =	dma.local [hbm:s5], s20  }
0x9e: {  	_ =	swait.ge [sflag:s22], s20  }
0x9f: {  	s4 =	ssub.s32 $0x0, s20;
	[sflag:s22] =	ssyncset.done $0x0  }
0xa0: {  	[sflag:s22] =	ssyncadd.s32 s4;
	_ =	sdelay $0x1  }
0xa1: {  	s23 =	simm.s32 $0x1B8B  }
0xa2: {  	_ =	swait.ge [sflag:s23], $0x1  }
0xa3: {  	[sflag:s23] =	ssyncset.done $0x0  }
0xa4: {  	s25 =	simm.s32 $0x1B8E;
	s24 =	sld [smem:$0x3FFE];
	[sflag:s23] =	ssyncadd.s32 $0xFFFFFFFF  }
0xa5: {  	s26 =	simm.s32 $execute0_lowered;
	[smem:$0x3FD2] =	sst s25  }
0xa6: {  	s5 =	sshll.u32 s26, $0x1;
	_ =	strace $0x80000046;
	[dreg:$0x1] =	wrdreg $0xFFFFFFFF  }
0xa7: {  	s28 =	simm.s32 $_size_execute0_lowered;
	s3 =	sadd.s32 s3, s5;
	[dreg:$0x0] =	wrdreg $0x0  }
0xa8: {  	s5 =	sshll.u32 s28, $0x1;
	[dreg:$0x2] =	wrdreg s3  }
0xa9: {  	[dreg:$0x3] =	wrdreg s5  }
0xaa: {  	[dreg:$0x4] =	wrdreg $0xC0  }
0xab: {  	_ =	task [dreg:s7], $0x5FFFF  }
0xac: {  	[dreg:$0x1] =	wrdreg $0xFFFFFFFF  }
0xad: {  	[dreg:$0x0] =	wrdreg $0x60  }
0xae: {  	[dreg:$0x2] =	wrdreg s24  }
0xaf: {  	[dreg:$0x3] =	wrdreg s2  }
0xb0: {  	[dreg:$0x4] =	wrdreg $0x9  }
0xb1: {  	_ =	task.clear_ibuf [dreg:s7], $0x5FFFF;
	_ =	strace $0x90000046  }
0xb2: {  	s29 =	simm.s32 $0x9;
	_ =	strace $0x80000048  }
0xb3: {  	_ =	swait.ge [sflag:s29], $0x1  }
0xb4: {  	[sflag:s29] =	ssyncadd.s32 $0xFFFFFFFF  }
0xb5: {  	_ =	strace $0x90000048  }
0xb6: {  	_ =	sfence  }
0xb7: {  	s30 =	sld [smem:$0x0];
	_ =	sdelay $0x2  }
0xb8: {  	s31 =	sshll.u32 s1, $0xD;
	s1 =	sshrl.u32 s1, $0x2  }
0xb9: {  	s3 =	sand.u32 $0x4000, s31;
	s1 =	sadd.s32 s1, s30  }
0xba: {  	s0 =	sor.u32 s3, s0;
	s1 =	sshll.u32 s1, $0x11  }
0xbb: {  	s0 =	sor.u32 s1, s0  }
0xbc: {  	s0 =	sadd.s32 $0x8F2B, s0  }
0xbd: {  	[sflag:s0] =	ssyncadd.remote.s32 $0x1  }
0xbe: {  	_ =	sfence.sel $0xFFFF  }
0xbf: {  	[dreg:$0x0] =	wrdreg $0xFFFFFFFF;
	(pc) =	sbr.abs _section_cstart, $3  }
0xc0: {  	[dreg:$0x1] =	wrdreg $0xFFFFFFFF  }
0xc1: {  	_ =	task.clear_ibuf [dreg:s7], $0x2FFFF;
	_ =	strace $0x9FFFFFFF  }
0xc2: {  	(tm) =	ssettm $0x7FFFFFFF  }
0xc3: {  	_ =	shalt  }
tec
execute0_lowered:
.L_overlay_start_1:
0x0: {  	(tag) =	ssettag $0x1  }
0x1: {  	s3 =	rddreg [dreg:$0x0]  }
0x2: {  	s8 =	rddreg [dreg:$0x1]  }
0x3: {  	s0 =	rddreg [dreg:$0x2]  }
0x4: {  	s2 =	simm.s32 $0x0;
	s4 =	srdreg.scid;
	s1 =	stileid.u32  }
0x5: {  	[smem:$0x7FF] =	sst s2;
	s4 =	sand.u32 $0x1, s4;
	s5 =	sshll.u32 s1, $0x1  }
0x6: {  	s6 =	sadd.s32 $0x400E00, s3;
	s7 =	sadd.s32 $0xE00, s3;
	s5 =	sor.u32 s4, s5  }
0x7: {  	_ =	strace $0x80000047;
	s29 =	ssub.s32 $0x2, s4;
	s30 =	smul.u32 $0xC00, s5  }
0x8: {  	s9 =	sshrl.u32 s29, $0x1;
	s10 =	smul.u32 $0x1800, s5;
	s11 =	sshllo.u32 s5, $0x1  }
0x9: {  	s5 =	sshll.u32 s5, $0x9;
	s9 =	ssub.s32 s29, s9;
	s12 =	smul.u32 $0x600, s11  }
0xa: {  	s4 =	sadd.s32 s7, s5;
	s13 =	smul.u32 $0xC00, s11;
	s31 =	sshll.u32 s11, $0x8  }
0xb: {  	s11 =	simm.s32 $0x3800;
	s3 =	sadd.s32 s6, s30;
	s5 =	sadd.s32 s8, s10  }
0xc: {  	s7 =	sadd.s32 s7, s31;
	s9 =	smax.u32 s9, $0x1;
	s10 =	simm.s32 $0x1  }
0xd: {  	s6 =	sadd.s32 s6, s12;
	s8 =	sadd.s32 s8, s13;
	s12 =	simm.s32 $0x0  }
.LBB2_1:
0xe: {  	[tilespmem:s2], [sflag:$0x1] =	stream.linear.gather [hbm4b:s3+s2], $0x3000, $0x38;
	[tilespmem:$0x9800] =	vst v63  }
0xf: {  	_ =	swait.ge [sflag:s10], $0x3000  }
0x10: {  	[sflag:s10] =	ssyncset.done $0x0  }
0x11: {  	s13 =	simm.s32 $0x3000;
	[sflag:s10] =	ssyncadd.s32 $0xFFFFD000  }
0x12: {  	[tilespmem:s13], [sflag:$0x1] =	stream.linear.gather [hbm4b:s4+s2], $0x800, $0x38;
	[tilespmem:$0x9800] =	vst v63  }
0x13: {  	_ =	swait.ge [sflag:s10], $0x800  }
0x14: {  	[sflag:s10] =	ssyncset.done $0x0  }
0x15: {  	[sflag:s10] =	ssyncadd.s32 $0xFFFFF800  }
0x16: {  	v0 =	vld [tilespmem:s13+$0x0];
	_ =	sdelay $0x4  }
0x17: {  	v0 =	vmul.u32 $0xC, v0;
	_ =	sdelay $0x5  }
0x18: {  	v1 =	vld.idx.msk [tilespmem:v0+s2+$0x0], $0xffff  }
0x19: {  	v2 =	vor.u32 $0x1, v0;
	_ =	sdelay $0x3  }
0x1a: {  	[tilespmem:s11+$0x0] =	vst v1  }
0x1b: {  	v1 =	vld.idx.msk [tilespmem:v2+s2+$0x0], $0xffff  }
0x1c: {  	v55 =	vor.u32 $0x2, v0;
	_ =	sdelay $0x2  }
0x1d: {  	s31 =	sand.u32 $0x7F0, s2  }
0x1e: {  	[tilespmem:s31+$0x4000] =	vst v1  }
0x1f: {  	v1 =	vld.idx.msk [tilespmem:v55+s2+$0x0], $0xffff  }
0x20: {  	v56 =	vor.u32 $0x3, v0;
	_ =	sdelay $0x3  }
0x21: {  	[tilespmem:s31+$0x4800] =	vst v1  }
0x22: {  	v1 =	vld.idx.msk [tilespmem:v56+s2+$0x0], $0xffff  }
0x23: {  	v57 =	vadd.s32 $0x4, v0;
	_ =	sdelay $0x3  }
0x24: {  	[tilespmem:s31+$0x5000] =	vst v1  }
0x25: {  	v1 =	vld.idx.msk [tilespmem:v57+s2+$0x0], $0xffff  }
0x26: {  	v58 =	vadd.s32 $0x5, v0;
	_ =	sdelay $0x3  }
0x27: {  	[tilespmem:s31+$0x5800] =	vst v1  }
0x28: {  	v1 =	vld.idx.msk [tilespmem:v58+s2+$0x0], $0xffff  }
0x29: {  	v59 =	vadd.s32 $0x6, v0;
	_ =	sdelay $0x3  }
0x2a: {  	[tilespmem:s31+$0x6000] =	vst v1  }
0x2b: {  	v1 =	vld.idx.msk [tilespmem:v59+s2+$0x0], $0xffff  }
0x2c: {  	v60 =	vadd.s32 $0x7, v0;
	_ =	sdelay $0x3  }
0x2d: {  	[tilespmem:s31+$0x6800] =	vst v1  }
0x2e: {  	v1 =	vld.idx.msk [tilespmem:v60+s2+$0x0], $0xffff  }
0x2f: {  	v61 =	vadd.s32 $0x8, v0;
	_ =	sdelay $0x3  }
0x30: {  	[tilespmem:s31+$0x7000] =	vst v1  }
0x31: {  	v1 =	vld.idx.msk [tilespmem:v61+s2+$0x0], $0xffff  }
0x32: {  	v62 =	vadd.s32 $0x9, v0;
	_ =	sdelay $0x3  }
0x33: {  	[tilespmem:s31+$0x7800] =	vst v1  }
0x34: {  	v1 =	vld.idx.msk [tilespmem:v62+s2+$0x0], $0xffff  }
0x35: {  	v63 =	vadd.s32 $0xA, v0;
	_ =	sdelay $0x3  }
0x36: {  	[tilespmem:s31+$0x8000] =	vst v1  }
0x37: {  	v1 =	vld.idx.msk [tilespmem:v63+s2+$0x0], $0xffff  }
0x38: {  	v0 =	vadd.s32 $0xB, v0;
	_ =	sdelay $0x3  }
0x39: {  	[tilespmem:s31+$0x8800] =	vst v1  }
0x3a: {  	v0 =	vld.idx.msk [tilespmem:v0+s2+$0x0], $0xffff;
	_ =	sdelay $0x4  }
0x3b: {  	s14 =	simm.s32 $0x10;
	s15 =	simm.s32 $0x3800;
	s13 =	simm.s32 $0x3010;
	[tilespmem:s31+$0x9000] =	vst v0  }
.LBB2_2:
0x3c: {  	v0 =	vld [tilespmem:s13+$0x0];
	p0 =	sne.s32 s14, $0x7F0;
	_ =	sdelay $0x4  }
0x3d: {  	v0 =	vmul.u32 $0xC, v0;
	_ =	sdelay $0x1  }
0x3e: {  	v1 =	vadd.s32 $0xB, v0;
	_ =	sdelay $0x3  }
0x3f: {  	v2 =	vld.idx.msk [tilespmem:v0+s2+$0x0], $0xffff;
	_ =	sdelay $0x1  }
0x40: {  	v3 =	vor.u32 $0x1, v0;
	_ =	sdelay $0x2  }
0x41: {  	s15 =	sadd.s32 $0x10, s15  }
0x42: {  	[tilespmem:s15+$0x0] =	vst v2  }
0x43: {  	v2 =	vld.idx.msk [tilespmem:v3+s2+$0x0], $0xffff;
	_ =	sdelay $0x1  }
0x44: {  	v3 =	vor.u32 $0x2, v0;
	_ =	sdelay $0x2  }
0x45: {  	s16 =	sand.u32 $0x7F0, s14  }
0x46: {  	[tilespmem:s16+$0x4000] =	vst v2  }
0x47: {  	v2 =	vld.idx.msk [tilespmem:v3+s2+$0x0], $0xffff;
	_ =	sdelay $0x1  }
0x48: {  	v3 =	vor.u32 $0x3, v0;
	_ =	sdelay $0x3  }
0x49: {  	[tilespmem:s16+$0x4800] =	vst v2  }
0x4a: {  	v2 =	vld.idx.msk [tilespmem:v3+s2+$0x0], $0xffff;
	_ =	sdelay $0x1  }
0x4b: {  	v3 =	vadd.s32 $0x4, v0;
	_ =	sdelay $0x3  }
0x4c: {  	[tilespmem:s16+$0x5000] =	vst v2  }
0x4d: {  	v2 =	vld.idx.msk [tilespmem:v3+s2+$0x0], $0xffff;
	_ =	sdelay $0x1  }
0x4e: {  	v3 =	vadd.s32 $0x5, v0;
	_ =	sdelay $0x3  }
0x4f: {  	[tilespmem:s16+$0x5800] =	vst v2  }
0x50: {  	v2 =	vld.idx.msk [tilespmem:v3+s2+$0x0], $0xffff;
	_ =	sdelay $0x1  }
0x51: {  	v3 =	vadd.s32 $0x6, v0;
	_ =	sdelay $0x3  }
0x52: {  	[tilespmem:s16+$0x6000] =	vst v2  }
0x53: {  	v2 =	vld.idx.msk [tilespmem:v3+s2+$0x0], $0xffff;
	_ =	sdelay $0x1  }
0x54: {  	v3 =	vadd.s32 $0x7, v0;
	_ =	sdelay $0x3  }
0x55: {  	[tilespmem:s16+$0x6800] =	vst v2  }
0x56: {  	v2 =	vld.idx.msk [tilespmem:v3+s2+$0x0], $0xffff;
	_ =	sdelay $0x1  }
0x57: {  	v3 =	vadd.s32 $0x8, v0;
	_ =	sdelay $0x3  }
0x58: {  	[tilespmem:s16+$0x7000] =	vst v2  }
0x59: {  	v2 =	vld.idx.msk [tilespmem:v3+s2+$0x0], $0xffff;
	_ =	sdelay $0x1  }
0x5a: {  	v3 =	vadd.s32 $0x9, v0;
	_ =	sdelay $0x3  }
0x5b: {  	[tilespmem:s16+$0x7800] =	vst v2  }
0x5c: {  	v2 =	vld.idx.msk [tilespmem:v3+s2+$0x0], $0xffff;
	_ =	sdelay $0x1  }
0x5d: {  	v0 =	vadd.s32 $0xA, v0;
	_ =	sdelay $0x3  }
0x5e: {  	[tilespmem:s16+$0x8000] =	vst v2  }
0x5f: {  	v0 =	vld.idx.msk [tilespmem:v0+s2+$0x0], $0xffff;
	_ =	sdelay $0x5  }
0x60: {  	[tilespmem:s16+$0x8800] =	vst v0  }
0x61: {  	v0 =	vld.idx.msk [tilespmem:v1+s2+$0x0], $0xffff;
	_ =	sdelay $0x1  }
.Ltmp0:
0x62: {  	(pc) =	sbr.rel @p0 .LBB2_2-.Ltmp0, $2  }
0x63: {  	_ =	sdelay $0x2  }
0x64: {  	s13 =	sadd.s32 $0x10, s13;
	s14 =	sadd.s32 $0x10, s14;
	[tilespmem:s16+$0x9000] =	vst v0  }
0x65: {  	s14 =	simm.s32 $0x0;
	s13 =	simm.s32 $0x3800  }
0x66: {  	[hbm4b:s5+s14] =	stream.linear.scatter [tilespmem:s13], [sflag:$0x1], $0x6000, $0x38;
	[tilespmem:$0x9800] =	vst v63  }
0x67: {  	_ =	swait.ge [sflag:s10], $0x6000  }
0x68: {  	[sflag:s10] =	ssyncset.done $0x0  }
0x69: {  	[sflag:s10] =	ssyncadd.s32 $0xFFFFA000  }
0x6a: {  	[tilespmem:s14], [sflag:$0x1] =	stream.linear.gather [hbm4b:s6+s14], $0x3000, $0x38;
	[tilespmem:$0x9800] =	vst v63  }
0x6b: {  	_ =	swait.ge [sflag:s10], $0x3000  }
0x6c: {  	[sflag:s10] =	ssyncset.done $0x0  }
0x6d: {  	s15 =	simm.s32 $0x3000;
	[sflag:s10] =	ssyncadd.s32 $0xFFFFD000  }
0x6e: {  	[tilespmem:s15], [sflag:$0x1] =	stream.linear.gather [hbm4b:s7+s14], $0x800, $0x38;
	[tilespmem:$0x9800] =	vst v63  }
0x6f: {  	_ =	swait.ge [sflag:s10], $0x800  }
0x70: {  	[sflag:s10] =	ssyncset.done $0x0  }
0x71: {  	[sflag:s10] =	ssyncadd.s32 $0xFFFFF800  }
0x72: {  	v0 =	vld [tilespmem:s15+$0x0];
	_ =	sdelay $0x4  }
0x73: {  	v0 =	vmul.u32 $0xC, v0;
	_ =	sdelay $0x5  }
0x74: {  	v1 =	vld.idx.msk [tilespmem:v0+s2+$0x0], $0xffff  }
0x75: {  	v2 =	vor.u32 $0x1, v0;
	_ =	sdelay $0x3  }
0x76: {  	[tilespmem:s13+$0x0] =	vst v1  }
0x77: {  	v1 =	vld.idx.msk [tilespmem:v2+s2+$0x0], $0xffff  }
0x78: {  	v55 =	vor.u32 $0x2, v0;
	_ =	sdelay $0x2  }
0x79: {  	s14 =	sand.u32 $0x7F0, s14  }
0x7a: {  	[tilespmem:s14+$0x4000] =	vst v1  }
0x7b: {  	v1 =	vld.idx.msk [tilespmem:v55+s2+$0x0], $0xffff  }
0x7c: {  	v56 =	vor.u32 $0x3, v0;
	_ =	sdelay $0x3  }
0x7d: {  	[tilespmem:s14+$0x4800] =	vst v1  }
0x7e: {  	v1 =	vld.idx.msk [tilespmem:v56+s2+$0x0], $0xffff  }
0x7f: {  	v57 =	vadd.s32 $0x4, v0;
	_ =	sdelay $0x3  }
0x80: {  	[tilespmem:s14+$0x5000] =	vst v1  }
0x81: {  	v1 =	vld.idx.msk [tilespmem:v57+s2+$0x0], $0xffff  }
0x82: {  	v58 =	vadd.s32 $0x5, v0;
	_ =	sdelay $0x3  }
0x83: {  	[tilespmem:s14+$0x5800] =	vst v1  }
0x84: {  	v1 =	vld.idx.msk [tilespmem:v58+s2+$0x0], $0xffff  }
0x85: {  	v59 =	vadd.s32 $0x6, v0;
	_ =	sdelay $0x3  }
0x86: {  	[tilespmem:s14+$0x6000] =	vst v1  }
0x87: {  	v1 =	vld.idx.msk [tilespmem:v59+s2+$0x0], $0xffff  }
0x88: {  	v60 =	vadd.s32 $0x7, v0;
	_ =	sdelay $0x3  }
0x89: {  	[tilespmem:s14+$0x6800] =	vst v1  }
0x8a: {  	v1 =	vld.idx.msk [tilespmem:v60+s2+$0x0], $0xffff  }
0x8b: {  	v61 =	vadd.s32 $0x8, v0;
	_ =	sdelay $0x3  }
0x8c: {  	[tilespmem:s14+$0x7000] =	vst v1  }
0x8d: {  	v1 =	vld.idx.msk [tilespmem:v61+s2+$0x0], $0xffff  }
0x8e: {  	v62 =	vadd.s32 $0x9, v0;
	_ =	sdelay $0x3  }
0x8f: {  	[tilespmem:s14+$0x7800] =	vst v1  }
0x90: {  	v1 =	vld.idx.msk [tilespmem:v62+s2+$0x0], $0xffff  }
0x91: {  	v63 =	vadd.s32 $0xA, v0;
	_ =	sdelay $0x3  }
0x92: {  	[tilespmem:s14+$0x8000] =	vst v1  }
0x93: {  	v1 =	vld.idx.msk [tilespmem:v63+s2+$0x0], $0xffff  }
0x94: {  	v0 =	vadd.s32 $0xB, v0;
	_ =	sdelay $0x3  }
0x95: {  	[tilespmem:s14+$0x8800] =	vst v1  }
0x96: {  	v0 =	vld.idx.msk [tilespmem:v0+s2+$0x0], $0xffff;
	_ =	sdelay $0x4  }
0x97: {  	s15 =	simm.s32 $0x10;
	[tilespmem:s14+$0x9000] =	vst v0;
	s14 =	simm.s32 $0x3010  }
.LBB2_4:
0x98: {  	v0 =	vld [tilespmem:s14+$0x0];
	p0 =	sne.s32 s15, $0x7F0;
	_ =	sdelay $0x4  }
0x99: {  	v0 =	vmul.u32 $0xC, v0;
	_ =	sdelay $0x1  }
0x9a: {  	v1 =	vadd.s32 $0xB, v0;
	_ =	sdelay $0x3  }
0x9b: {  	v2 =	vld.idx.msk [tilespmem:v0+s2+$0x0], $0xffff;
	_ =	sdelay $0x1  }
0x9c: {  	v3 =	vor.u32 $0x1, v0;
	_ =	sdelay $0x2  }
0x9d: {  	s13 =	sadd.s32 $0x10, s13  }
0x9e: {  	[tilespmem:s13+$0x0] =	vst v2  }
0x9f: {  	v2 =	vld.idx.msk [tilespmem:v3+s2+$0x0], $0xffff;
	_ =	sdelay $0x1  }
0xa0: {  	v3 =	vor.u32 $0x2, v0;
	_ =	sdelay $0x2  }
0xa1: {  	s16 =	sand.u32 $0x7F0, s15  }
0xa2: {  	[tilespmem:s16+$0x4000] =	vst v2  }
0xa3: {  	v2 =	vld.idx.msk [tilespmem:v3+s2+$0x0], $0xffff;
	_ =	sdelay $0x1  }
0xa4: {  	v3 =	vor.u32 $0x3, v0;
	_ =	sdelay $0x3  }
0xa5: {  	[tilespmem:s16+$0x4800] =	vst v2  }
0xa6: {  	v2 =	vld.idx.msk [tilespmem:v3+s2+$0x0], $0xffff;
	_ =	sdelay $0x1  }
0xa7: {  	v3 =	vadd.s32 $0x4, v0;
	_ =	sdelay $0x3  }
0xa8: {  	[tilespmem:s16+$0x5000] =	vst v2  }
0xa9: {  	v2 =	vld.idx.msk [tilespmem:v3+s2+$0x0], $0xffff;
	_ =	sdelay $0x1  }
0xaa: {  	v3 =	vadd.s32 $0x5, v0;
	_ =	sdelay $0x3  }
0xab: {  	[tilespmem:s16+$0x5800] =	vst v2  }
0xac: {  	v2 =	vld.idx.msk [tilespmem:v3+s2+$0x0], $0xffff;
	_ =	sdelay $0x1  }
0xad: {  	v3 =	vadd.s32 $0x6, v0;
	_ =	sdelay $0x3  }
0xae: {  	[tilespmem:s16+$0x6000] =	vst v2  }
0xaf: {  	v2 =	vld.idx.msk [tilespmem:v3+s2+$0x0], $0xffff;
	_ =	sdelay $0x1  }
0xb0: {  	v3 =	vadd.s32 $0x7, v0;
	_ =	sdelay $0x3  }
0xb1: {  	[tilespmem:s16+$0x6800] =	vst v2  }
0xb2: {  	v2 =	vld.idx.msk [tilespmem:v3+s2+$0x0], $0xffff;
	_ =	sdelay $0x1  }
0xb3: {  	v3 =	vadd.s32 $0x8, v0;
	_ =	sdelay $0x3  }
0xb4: {  	[tilespmem:s16+$0x7000] =	vst v2  }
0xb5: {  	v2 =	vld.idx.msk [tilespmem:v3+s2+$0x0], $0xffff;
	_ =	sdelay $0x1  }
0xb6: {  	v3 =	vadd.s32 $0x9, v0;
	_ =	sdelay $0x3  }
0xb7: {  	[tilespmem:s16+$0x7800] =	vst v2  }
0xb8: {  	v2 =	vld.idx.msk [tilespmem:v3+s2+$0x0], $0xffff;
	_ =	sdelay $0x1  }
0xb9: {  	v0 =	vadd.s32 $0xA, v0;
	_ =	sdelay $0x3  }
0xba: {  	[tilespmem:s16+$0x8000] =	vst v2  }
0xbb: {  	v0 =	vld.idx.msk [tilespmem:v0+s2+$0x0], $0xffff;
	_ =	sdelay $0x5  }
0xbc: {  	[tilespmem:s16+$0x8800] =	vst v0  }
0xbd: {  	v0 =	vld.idx.msk [tilespmem:v1+s2+$0x0], $0xffff;
	_ =	sdelay $0x1  }
.Ltmp1:
0xbe: {  	(pc) =	sbr.rel @p0 .LBB2_4-.Ltmp1, $2  }
0xbf: {  	_ =	sdelay $0x2  }
0xc0: {  	s14 =	sadd.s32 $0x10, s14;
	s15 =	sadd.s32 $0x10, s15;
	[tilespmem:s16+$0x9000] =	vst v0  }
0xc1: {  	s12 =	sadd.s32 $0x1, s12  }
0xc2: {  	p0 =	sne.s32 s12, s9  }
.Ltmp2:
0xc3: {  	_ = 	snop;
	(pc) =	sbr.rel @p0 .LBB2_1-.Ltmp2, $4  }
0xc4: {  	[hbm4b:s8+s2] =	stream.linear.scatter [tilespmem:s11], [sflag:$0x1], $0x6000, $0x38;
	[tilespmem:$0x9800] =	vst v63  }
0xc5: {  	_ =	swait.ge [sflag:s10], $0x6000  }
0xc6: {  	[sflag:s10] =	ssyncset.done $0x0  }
0xc7: {  	[sflag:s10] =	ssyncadd.s32 $0xFFFFA000  }
0xc8: {  	_ =	sfence.sel $0x180000  }
0xc9: {  	[bflag:$0x0] =	sbarrier.arrive $0xFFFF  }
0xca: {  	p0 =	sne.s32 s1, $0x0;
	_ =	strace $0x90000047  }
0xcb: {  	s0 =	sadd.s32 @!p0 $0x100000, s0;
	[bflag:$0x2] =	sbarrier.arrive $0xFFFF  }
0xcc: {  	[sflag:s0] =	ssyncadd.tile.s32 @!p0 $0x1;
	_ =	shalt  }
.Lfunc_end2:
_tile_overlayer_lowered:
.L_overlay_start_2:
0xcd: {  	(tag) =	ssettag $0x2  }
0xce: {  	s0 =	rddreg [dreg:$0x0];
	s2 =	stileid.u32  }
0xcf: {  	s1 =	rddreg [dreg:$0x1];
	p0 =	sne.s32 s2, $0x0  }
0xd0: {  	s3 =	rddreg [dreg:$0x2];
	[bflag:$0x3] =	sbarrier.arrive $0xFFFF;
	s2 =	simm.s32 @!p0 $0x1C01  }
0xd1: {  	[timem:s3], [sflag:s2] =	dma.local @!p0 [hbm:s0], s1  }
0xd2: {  	s0 =	simm.s32 @!p0 $0x1  }
0xd3: {  	_ =	swait.ge @!p0 [sflag:s0], s1  }
0xd4: {  	s1 =	ssub.s32 @!p0 $0x0, s1;
	[sflag:s0] =	ssyncset.done @!p0 $0x0  }
0xd5: {  	[sflag:s0] =	ssyncadd.s32 @!p0 s1  }
0xd6: {  	[bflag:$0x3] =	sbarrier.arrive $0xFFFF  }
0xd7: {  	_ =	shalt  }

</sc_bundles>
